<compile_context>
chip_gen: v7x
topology: tpu7x:2x2x1
jax: 0.10.2.dev20260603
libtpu: 0.0.44.dev20260713+nightly
codegen_flags: <defaults>
</compile_context>

<pallas_src>
import functools

import jax
import jax.numpy as jnp
from jax import lax
from jax.experimental import pallas as pl
from jax.experimental.pallas import tpu as pltpu
from jax.experimental.pallas import tpu_sc as plsc


def _sc_body(y_hbm, c_hbm, t_hbm, out_hbm, y_v, c_v, t_v, out_v, sem):
    @pl.when(lax.axis_index("s") == 0)
    def _():
        d1 = pltpu.async_copy(y_hbm, y_v.at[pl.ds(0, 10)], sem)
        d2 = pltpu.async_copy(c_hbm, c_v.at[pl.ds(0, 22)], sem)
        d3 = pltpu.async_copy(t_hbm, t_v.at[pl.ds(0, 1)], sem)
        d1.wait()
        d2.wait()
        d3.wait()
        yv = y_v[pl.ds(0, 16)]
        cv = c_v[pl.ds(0, 16)]
        t = t_v[pl.ds(0, 16)][0]
        w0 = yv[9] * cv[2]
        w1 = (yv[6] + yv[8]) * cv[1]
        w2 = (yv[3] + yv[5]) * cv[0]
        w3_nodiv = cv[3] + jnp.where(t <= cv[7], cv[4], 0.0)
        num = cv[5] * t
        den = cv[8]
        lane = lax.iota(jnp.int32, 16)
        lane3 = lane == 3
        base = jnp.where(
            lane == 0,
            w0,
            jnp.where(lane == 1, w1, jnp.where(lane == 2, w2, w3_nodiv)),
        )
        res = base + jnp.where(lane3, num, 0.0) / jnp.where(lane3, den, 1.0)
        out_v[...] = res
        pltpu.sync_copy(out_v.at[pl.ds(0, 4)], out_hbm)


_sc_call = functools.partial(
    pl.kernel,
    mesh=plsc.VectorSubcoreMesh(
        core_axis_name="c", subcore_axis_name="s", num_cores=1, num_subcores=1
    ),
    out_type=jax.ShapeDtypeStruct((4,), jnp.float32),
    scratch_types=[
        pltpu.VMEM((16,), jnp.float32),
        pltpu.VMEM((24,), jnp.float32),
        pltpu.VMEM((16,), jnp.float32),
        pltpu.VMEM((16,), jnp.float32),
        pltpu.SemaphoreType.DMA,
    ],
)(_sc_body)


@jax.jit
def kernel(y, w, c, t):
    return _sc_call(y, c, t.reshape(1))

# --- scband reference (transcript-rebuilt; emitter-appended) ---
"""Pipeline reference for scband-assignment-rule-57715770524034 (READ-ONLY COPY).

The authoritative reference and input builder live on the scoring server;
editing this copy changes nothing except your own understanding.
"""

import jax, jax.numpy as jnp
import numpy as np


def piecewise(val, cond, otherwise):
    # SBML-style piecewise: val if cond else otherwise
    return jnp.where(cond, val, otherwise)


def setup_inputs(seed: int = 0) -> dict:
    key = jax.random.key(seed)
    k1, k2 = jax.random.split(key, 2)
    y = jax.random.uniform(k1, (10,), dtype=jnp.float32)
    w = jnp.zeros((4,), dtype=jnp.float32)
    c = jnp.array([0.848783474941268, 2.42381211094508, 0.525842718263069, 0.0, 0.0,
                   30.0, 0.0011032440769796, 60.0, 3600.0, 1.0, 0.00269408,
                   0.0133747, 0.0882701, 1.47518e-10, 0.0202517, 0.0684084,
                   68.3666, 5.23519, 0.0056515, 1.28135, 0.000293167, 0.00833178],
                  dtype=jnp.float32)
    t = jax.random.uniform(k2, (), dtype=jnp.float32) * 100.0
    return {"y": y, "w": w, "c": c, "t": t}


def reference(y, w, c, t):
    w = w.at[0].set(y[9] / 1.0 * c[2])
    w = w.at[1].set((y[6] / 1.0 + y[8] / 1.0) * c[1])
    w = w.at[2].set((y[3] / 1.0 + y[5] / 1.0) * c[0])
    w = w.at[3].set(1.0 * (c[3] + piecewise(c[4], t <= c[7], 0.0) + c[5] * t / c[8]))
    return w

if __name__ == "__main__":
    import jax
    _d = setup_inputs()
    print(jax.jit(kernel)(*tuple(_d.values())))

</pallas_src>

<mosaic_0001>
#map = affine_map<(d0, d1) -> (0)>
module attributes {stable_mosaic.version = 14 : i64} {
  func.func @_sc_body(%arg0: i32, %arg1: i32, %arg2: memref<10xf32, #tpu.memory_space<hbm>>, %arg3: memref<22xf32, #tpu.memory_space<hbm>>, %arg4: memref<1xf32, #tpu.memory_space<hbm>>, %arg5: memref<4xf32, #tpu.memory_space<hbm>>, %arg6: memref<16xf32, #tpu.memory_space<vmem>>, %arg7: memref<24xf32, #tpu.memory_space<vmem>>, %arg8: memref<16xf32, #tpu.memory_space<vmem>>, %arg9: memref<16xf32, #tpu.memory_space<vmem>>, %arg10: memref<!tpu.dma_semaphore, #tpu.memory_space<semaphore_mem>>) attributes {dimension_semantics = [#tpu.dimension_semantics<core_parallel>, #tpu.dimension_semantics<subcore_parallel>], iteration_bounds = array<i64: 1, 1>, scalar_prefetch = 0 : i64, scratch_operands = 5 : i64, tpu.core_type = #tpu.core_type<sc_vector_subcore>, window_params = [{transform_indices = #map}, {transform_indices = #map}, {transform_indices = #map}, {transform_indices = #map}]} {
    %eq3A = arith.constant 0 : i32
    %eq3A_0 = arith.cmpi eq, %arg1, %eq3A : i32
    %convert_element_type3A = arith.extui %eq3A_0 : i1 to i32
    %cond3A = arith.constant 0 : i32
    %cond3A_1 = arith.cmpi ne, %convert_element_type3A, %cond3A : i32
    scf.if %cond3A_1 {
      %dma_start3A = arith.constant 0 : i32
      %dma_start3A_2 = tpu.memref_slice %arg6[%dma_start3A] : memref<16xf32, #tpu.memory_space<vmem>> -> memref<10xf32, #tpu.memory_space<vmem>>
      %dma_start3A_3 = arith.constant 0 : i32
      %dma_start3A_4 = tpu.memref_slice %arg6[%dma_start3A_3] : memref<16xf32, #tpu.memory_space<vmem>> -> memref<10xf32, #tpu.memory_space<vmem>>
      tpu.enqueue_dma source(%arg2 : memref<10xf32, #tpu.memory_space<hbm>>) target(%dma_start3A_4 : memref<10xf32, #tpu.memory_space<vmem>>) target_semaphore(%arg10 : memref<!tpu.dma_semaphore, #tpu.memory_space<semaphore_mem>>)
      %dma_start3A_5 = arith.constant 0 : i32
      %dma_start3A_6 = tpu.memref_slice %arg7[%dma_start3A_5] : memref<24xf32, #tpu.memory_space<vmem>> -> memref<22xf32, #tpu.memory_space<vmem>>
      %dma_start3A_7 = arith.constant 0 : i32
      %dma_start3A_8 = tpu.memref_slice %arg7[%dma_start3A_7] : memref<24xf32, #tpu.memory_space<vmem>> -> memref<22xf32, #tpu.memory_space<vmem>>
      tpu.enqueue_dma source(%arg3 : memref<22xf32, #tpu.memory_space<hbm>>) target(%dma_start3A_8 : memref<22xf32, #tpu.memory_space<vmem>>) target_semaphore(%arg10 : memref<!tpu.dma_semaphore, #tpu.memory_space<semaphore_mem>>)
      %dma_start3A_9 = arith.constant 0 : i32
      %dma_start3A_10 = tpu.memref_slice %arg8[%dma_start3A_9] : memref<16xf32, #tpu.memory_space<vmem>> -> memref<1xf32, #tpu.memory_space<vmem>>
      %dma_start3A_11 = arith.constant 0 : i32
      %dma_start3A_12 = tpu.memref_slice %arg8[%dma_start3A_11] : memref<16xf32, #tpu.memory_space<vmem>> -> memref<1xf32, #tpu.memory_space<vmem>>
      tpu.enqueue_dma source(%arg4 : memref<1xf32, #tpu.memory_space<hbm>>) target(%dma_start3A_12 : memref<1xf32, #tpu.memory_space<vmem>>) target_semaphore(%arg10 : memref<!tpu.dma_semaphore, #tpu.memory_space<semaphore_mem>>)
      %dma_wait3A = arith.constant 0 : i32
      %dma_wait3A_13 = tpu.memref_slice %arg6[%dma_wait3A] : memref<16xf32, #tpu.memory_space<vmem>> -> memref<10xf32, #tpu.memory_space<vmem>>
      %dma_wait3A_14 = arith.constant 0 : i32
      %dma_wait3A_15 = tpu.memref_slice %arg6[%dma_wait3A_14] : memref<16xf32, #tpu.memory_space<vmem>> -> memref<10xf32, #tpu.memory_space<vmem>>
      tpu.wait_dma2 semaphore(%arg10 : memref<!tpu.dma_semaphore, #tpu.memory_space<semaphore_mem>>) src(%arg2 : memref<10xf32, #tpu.memory_space<hbm>>) dst(%dma_wait3A_15 : memref<10xf32, #tpu.memory_space<vmem>>)
      %dma_wait3A_16 = arith.constant 0 : i32
      %dma_wait3A_17 = tpu.memref_slice %arg7[%dma_wait3A_16] : memref<24xf32, #tpu.memory_space<vmem>> -> memref<22xf32, #tpu.memory_space<vmem>>
      %dma_wait3A_18 = arith.constant 0 : i32
      %dma_wait3A_19 = tpu.memref_slice %arg7[%dma_wait3A_18] : memref<24xf32, #tpu.memory_space<vmem>> -> memref<22xf32, #tpu.memory_space<vmem>>
      tpu.wait_dma2 semaphore(%arg10 : memref<!tpu.dma_semaphore, #tpu.memory_space<semaphore_mem>>) src(%arg3 : memref<22xf32, #tpu.memory_space<hbm>>) dst(%dma_wait3A_19 : memref<22xf32, #tpu.memory_space<vmem>>)
      %dma_wait3A_20 = arith.constant 0 : i32
      %dma_wait3A_21 = tpu.memref_slice %arg8[%dma_wait3A_20] : memref<16xf32, #tpu.memory_space<vmem>> -> memref<1xf32, #tpu.memory_space<vmem>>
      %dma_wait3A_22 = arith.constant 0 : i32
      %dma_wait3A_23 = tpu.memref_slice %arg8[%dma_wait3A_22] : memref<16xf32, #tpu.memory_space<vmem>> -> memref<1xf32, #tpu.memory_space<vmem>>
      tpu.wait_dma2 semaphore(%arg10 : memref<!tpu.dma_semaphore, #tpu.memory_space<semaphore_mem>>) src(%arg4 : memref<1xf32, #tpu.memory_space<hbm>>) dst(%dma_wait3A_23 : memref<1xf32, #tpu.memory_space<vmem>>)
      %get3A = arith.constant 0 : index
      %get3A_24 = tpu.vector_load %arg6[%get3A] {strides = array<i32>} : memref<16xf32, #tpu.memory_space<vmem>>, vector<16xf32>,
      %get3A_25 = vector.shape_cast %get3A_24 : vector<16xf32> to vector<16xf32>
      %get3A_26 = arith.constant 0 : index
      %get3A_27 = tpu.vector_load %arg7[%get3A_26] {strides = array<i32>} : memref<24xf32, #tpu.memory_space<vmem>>, vector<16xf32>,
      %get3A_28 = vector.shape_cast %get3A_27 : vector<16xf32> to vector<16xf32>
      %get3A_29 = arith.constant 0 : index
      %get3A_30 = tpu.vector_load %arg8[%get3A_29] {strides = array<i32>} : memref<16xf32, #tpu.memory_space<vmem>>, vector<16xf32>,
      %get3A_31 = vector.shape_cast %get3A_30 : vector<16xf32> to vector<16xf32>
      %slice3A = vector.extract_strided_slice %get3A_31 {offsets = [0], sizes = [1], strides = [1]} : vector<16xf32> to vector<1xf32>
      %squeeze3A = vector.extract %slice3A[0] : f32 from vector<1xf32>
      %slice3A_32 = vector.extract_strided_slice %get3A_25 {offsets = [9], sizes = [1], strides = [1]} : vector<16xf32> to vector<1xf32>
      %squeeze3A_33 = vector.extract %slice3A_32[0] : f32 from vector<1xf32>
      %slice3A_34 = vector.extract_strided_slice %get3A_28 {offsets = [2], sizes = [1], strides = [1]} : vector<16xf32> to vector<1xf32>
      %squeeze3A_35 = vector.extract %slice3A_34[0] : f32 from vector<1xf32>
      %mul3A = arith.mulf %squeeze3A_33, %squeeze3A_35 : f32
      %slice3A_36 = vector.extract_strided_slice %get3A_25 {offsets = [6], sizes = [1], strides = [1]} : vector<16xf32> to vector<1xf32>
      %squeeze3A_37 = vector.extract %slice3A_36[0] : f32 from vector<1xf32>
      %slice3A_38 = vector.extract_strided_slice %get3A_25 {offsets = [8], sizes = [1], strides = [1]} : vector<16xf32> to vector<1xf32>
      %squeeze3A_39 = vector.extract %slice3A_38[0] : f32 from vector<1xf32>
      %add3A = arith.addf %squeeze3A_37, %squeeze3A_39 : f32
      %slice3A_40 = vector.extract_strided_slice %get3A_28 {offsets = [1], sizes = [1], strides = [1]} : vector<16xf32> to vector<1xf32>
      %squeeze3A_41 = vector.extract %slice3A_40[0] : f32 from vector<1xf32>
      %mul3A_42 = arith.mulf %add3A, %squeeze3A_41 : f32
      %slice3A_43 = vector.extract_strided_slice %get3A_25 {offsets = [3], sizes = [1], strides = [1]} : vector<16xf32> to vector<1xf32>
      %squeeze3A_44 = vector.extract %slice3A_43[0] : f32 from vector<1xf32>
      %slice3A_45 = vector.extract_strided_slice %get3A_25 {offsets = [5], sizes = [1], strides = [1]} : vector<16xf32> to vector<1xf32>
      %squeeze3A_46 = vector.extract %slice3A_45[0] : f32 from vector<1xf32>
      %add3A_47 = arith.addf %squeeze3A_44, %squeeze3A_46 : f32
      %slice3A_48 = vector.extract_strided_slice %get3A_28 {offsets = [0], sizes = [1], strides = [1]} : vector<16xf32> to vector<1xf32>
      %squeeze3A_49 = vector.extract %slice3A_48[0] : f32 from vector<1xf32>
      %mul3A_50 = arith.mulf %add3A_47, %squeeze3A_49 : f32
      %slice3A_51 = vector.extract_strided_slice %get3A_28 {offsets = [3], sizes = [1], strides = [1]} : vector<16xf32> to vector<1xf32>
      %squeeze3A_52 = vector.extract %slice3A_51[0] : f32 from vector<1xf32>
      %slice3A_53 = vector.extract_strided_slice %get3A_28 {offsets = [7], sizes = [1], strides = [1]} : vector<16xf32> to vector<1xf32>
      %squeeze3A_54 = vector.extract %slice3A_53[0] : f32 from vector<1xf32>
      %le3A = arith.cmpf ole, %squeeze3A, %squeeze3A_54 : f32
      %slice3A_55 = vector.extract_strided_slice %get3A_28 {offsets = [4], sizes = [1], strides = [1]} : vector<16xf32> to vector<1xf32>
      %squeeze3A_56 = vector.extract %slice3A_55[0] : f32 from vector<1xf32>
      %jit3A = arith.constant 0.000000e+00 : f32
      %select_n3A = arith.select %le3A, %squeeze3A_56, %jit3A : f32
      %add3A_57 = arith.addf %squeeze3A_52, %select_n3A : f32
      %slice3A_58 = vector.extract_strided_slice %get3A_28 {offsets = [5], sizes = [1], strides = [1]} : vector<16xf32> to vector<1xf32>
      %squeeze3A_59 = vector.extract %slice3A_58[0] : f32 from vector<1xf32>
      %mul3A_60 = arith.mulf %squeeze3A_59, %squeeze3A : f32
      %slice3A_61 = vector.extract_strided_slice %get3A_28 {offsets = [8], sizes = [1], strides = [1]} : vector<16xf32> to vector<1xf32>
      %squeeze3A_62 = vector.extract %slice3A_61[0] : f32 from vector<1xf32>
      %iota3A = tpu.iota {dimensions = array<i32: 0>} : vector<16xi32>
      %eq3A_63 = arith.constant 3 : i32
      %eq3A_64 = vector.broadcast %eq3A_63 : i32 to vector<16xi32>
      %eq3A_65 = arith.cmpi eq, %iota3A, %eq3A_64 : vector<16xi32>
      %eq3A_66 = arith.constant 0 : i32
      %eq3A_67 = vector.broadcast %eq3A_66 : i32 to vector<16xi32>
      %eq3A_68 = arith.cmpi eq, %iota3A, %eq3A_67 : vector<16xi32>
      %eq3A_69 = arith.constant 1 : i32
      %eq3A_70 = vector.broadcast %eq3A_69 : i32 to vector<16xi32>
      %eq3A_71 = arith.cmpi eq, %iota3A, %eq3A_70 : vector<16xi32>
      %eq3A_72 = arith.constant 2 : i32
      %eq3A_73 = vector.broadcast %eq3A_72 : i32 to vector<16xi32>
      %eq3A_74 = arith.cmpi eq, %iota3A, %eq3A_73 : vector<16xi32>
      %broadcast_in_dim3A = vector.broadcast %mul3A_50 : f32 to vector<16xf32>
      %broadcast_in_dim3A_75 = vector.broadcast %add3A_57 : f32 to vector<16xf32>
      %select_n3A_76 = arith.select %eq3A_74, %broadcast_in_dim3A, %broadcast_in_dim3A_75 : vector<16xi1>, vector<16xf32>
      %broadcast_in_dim3A_77 = vector.broadcast %mul3A_42 : f32 to vector<16xf32>
      %select_n3A_78 = arith.select %eq3A_71, %broadcast_in_dim3A_77, %select_n3A_76 : vector<16xi1>, vector<16xf32>
      %broadcast_in_dim3A_79 = vector.broadcast %mul3A : f32 to vector<16xf32>
      %select_n3A_80 = arith.select %eq3A_68, %broadcast_in_dim3A_79, %select_n3A_78 : vector<16xi1>, vector<16xf32>
      %jit3A_81 = arith.constant 0.000000e+00 : f32
      %broadcast_in_dim3A_82 = vector.broadcast %mul3A_60 : f32 to vector<16xf32>
      %broadcast_in_dim3A_83 = vector.broadcast %jit3A_81 : f32 to vector<16xf32>
      %select_n3A_84 = arith.select %eq3A_65, %broadcast_in_dim3A_82, %broadcast_in_dim3A_83 : vector<16xi1>, vector<16xf32>
      %jit3A_85 = arith.constant 1.000000e+00 : f32
      %broadcast_in_dim3A_86 = vector.broadcast %squeeze3A_62 : f32 to vector<16xf32>
      %broadcast_in_dim3A_87 = vector.broadcast %jit3A_85 : f32 to vector<16xf32>
      %select_n3A_88 = arith.select %eq3A_65, %broadcast_in_dim3A_86, %broadcast_in_dim3A_87 : vector<16xi1>, vector<16xf32>
      %div3A = arith.divf %select_n3A_84, %select_n3A_88 : vector<16xf32>
      %add3A_89 = arith.addf %select_n3A_80, %div3A : vector<16xf32>
      %swap3A = arith.constant 0 : index
      %swap3A_90 = tpu.vector_load %arg9[%swap3A] {strides = array<i32>} : memref<16xf32, #tpu.memory_space<vmem>>, vector<16xf32>,
      %swap3A_91 = vector.shape_cast %swap3A_90 : vector<16xf32> to vector<16xf32>
      %swap3A_92 = vector.shape_cast %add3A_89 : vector<16xf32> to vector<16xf32>
      tpu.vector_store %arg9[%swap3A], %swap3A_92 {strides = array<i32>} : memref<16xf32, #tpu.memory_space<vmem>>, vector<16xf32>,
      "tpu.region"() ({
        %run_scoped3A = tpu.sem_alloc : memref<!tpu.dma_semaphore, #tpu.memory_space<semaphore_mem>>
        %dma_start3A_93 = arith.constant 0 : i32
        %dma_start3A_94 = tpu.memref_slice %arg9[%dma_start3A_93] : memref<16xf32, #tpu.memory_space<vmem>> -> memref<4xf32, #tpu.memory_space<vmem>>
        %dma_start3A_95 = arith.constant 0 : i32
        %dma_start3A_96 = tpu.memref_slice %arg9[%dma_start3A_95] : memref<16xf32, #tpu.memory_space<vmem>> -> memref<4xf32, #tpu.memory_space<vmem>>
        tpu.enqueue_dma source(%dma_start3A_96 : memref<4xf32, #tpu.memory_space<vmem>>) target(%arg5 : memref<4xf32, #tpu.memory_space<hbm>>) target_semaphore(%run_scoped3A : memref<!tpu.dma_semaphore, #tpu.memory_space<semaphore_mem>>)
        %dma_wait3A_97 = arith.constant 0 : i32
        %dma_wait3A_98 = tpu.memref_slice %arg9[%dma_wait3A_97] : memref<16xf32, #tpu.memory_space<vmem>> -> memref<4xf32, #tpu.memory_space<vmem>>
        %dma_wait3A_99 = arith.constant 0 : i32
        %dma_wait3A_100 = tpu.memref_slice %arg9[%dma_wait3A_99] : memref<16xf32, #tpu.memory_space<vmem>> -> memref<4xf32, #tpu.memory_space<vmem>>
        tpu.wait_dma2 semaphore(%run_scoped3A : memref<!tpu.dma_semaphore, #tpu.memory_space<semaphore_mem>>) src(%dma_wait3A_100 : memref<4xf32, #tpu.memory_space<vmem>>) dst(%arg5 : memref<4xf32, #tpu.memory_space<hbm>>)
        tpu.yield
      }) : () -> ()
    } else {
    }
    return
  }
}

</mosaic_0001>

<sc_bundles>
// kernel: kernel.3.cloned.1.call-start
scs
__scs_entry_jumppad:
0x0: {  	(pc) =	sbr.rel $0x88, $3  }
0x1: {  	(tag) =	ssettag $0x0;
	lr =	simm.s32 $0x1  }
0x2: {  	[smem:$0x3F9E] =	sst lr;
	_ =	strace $0xD0000000  }
0x3: {  	_ = 	snop  }
0x4: {  	_ = 	snop  }
0x5: {  	_ = 	snop  }
0x6: {  	_ = 	snop  }
0x7: {  	_ = 	snop  }
__scs_overlays_trampoline_lowered:
0x8: {  	[smem:$0x3FAD] =	sst s0  }
0x9: {  	[smem:$0x3FAE] =	sst s1  }
0xa: {  	[smem:$0x3FAF] =	sst s2  }
0xb: {  	[smem:$0x3FB0] =	sst s3  }
0xc: {  	[smem:$0x3FB1] =	sst s4  }
0xd: {  	[smem:$0x3FB2] =	sst s5  }
0xe: {  	[smem:$0x3FB3] =	sst s6  }
0xf: {  	[smem:$0x3FB4] =	sst s7  }
0x10: {  	[smem:$0x3FB5] =	sst s8  }
0x11: {  	[smem:$0x3FB6] =	sst s9;
	s0 =	simm.s32 @!p0 $0x0  }
0x12: {  	s1 =	sld [smem:$0x3F9C];
	s0 =	simm.s32 @p0 $0x1  }
0x13: {  	[smem:$0x3FB7] =	sst s0;
	s0 =	simm.s32 @!p1 $0x0  }
0x14: {  	s2 =	sld [smem:$0x3F9B];
	s0 =	simm.s32 @p1 $0x1  }
0x15: {  	[smem:$0x3FB8] =	sst s0;
	s0 =	simm.s32 @!p2 $0x0  }
0x16: {  	s3 =	sld [smem:$0x3FDB];
	s0 =	simm.s32 @p2 $0x1  }
0x17: {  	s4 =	simm.s32 $0x1BF5;
	[smem:$0x3FBA] =	sst s0  }
0x18: {  	s0 =	sld [smem:$0x3F9D];
	_ =	swait.ge [sflag:s4], $0x0  }
0x19: {  	s7 =	sld [smem:$0x3F9E]  }
0x1a: {  	s8 =	sadd.s32 $0xFFFFE003, lr  }
0x1b: {  	s9 =	sadd.s32 $0xFFFFFEF7, lr;
	s5 =	simm.s32 $0xFFFFFFFF;
	p2 =	slt.u32 s8, $0xFFFFF086  }
0x1c: {  	p1 =	slt.u32 s9, $0xF7A;
	s5 =	simm.s32 @!p2 $0x0  }
0x1d: {  	s5 =	simm.s32 @p1 $0x1;
	p0 =	seq.s32 s7, s2  }
0x1e: {  	s7 =	smul.u32 @!p0 $0xF7A, s2;
	p2 =	seq.s32 @!p0 s5, $0x0  }
0x1f: {  	s9 =	smul.u32 $0xF7A, s1;
	s8 =	simm.s32 @!p0 $0x1BF5;
	p2 =	por !p2, p0  }
0x20: {  	[sflag:s8] =	ssyncset.s32 @!p0 $0xFFFFF086;
	s6 =	sadd.s32 @!p0 s3, s7;
	s7 =	simm.s32 @!p0 $0x108  }
0x21: {  	s3 =	sadd.s32 s3, s9;
	s6 =	sadd.s32 @!p0 $0x88, s6;
	s7 =	simm.s32 @p2 $0x1082  }
0x22: {  	[simem:s7], [sflag:s8] =	dma.local @!p0 [hbm:s6], $0xF7A  }
0x23: {  	s9 =	sor.u32 $0xD0000000, s2;
	s6 =	simm.s32 $0x108;
	_ =	swait.ge @!p0 [sflag:s8], $0x0  }
0x24: {  	s3 =	sadd.s32 $0x88, s3;
	s6 =	simm.s32 @!p1 $0x1082;
	[sflag:s4] =	ssyncset.s32 $0xFFFFF086  }
0x25: {  	[simem:s6], [sflag:s4] =	dma.local [hbm:s3], $0xF7A  }
0x26: {  	[smem:$0x3F9E] =	sst s1;
	(tag) =	ssettag s2;
	_ =	strace s9  }
0x27: {  	s1 =	sld [smem:$0x3FAE]  }
0x28: {  	s2 =	sld [smem:$0x3FAF]  }
0x29: {  	s4 =	sld [smem:$0x3FB1]  }
0x2a: {  	p0 =	seq.s32 s5, $0x0;
	s5 =	sld [smem:$0x3FB2]  }
0x2b: {  	s6 =	sld [smem:$0x3FB3]  }
0x2c: {  	s7 =	sld [smem:$0x3FB4]  }
0x2d: {  	s3 =	simm.s32 $0x108;
	s8 =	sld [smem:$0x3FB5]  }
0x2e: {  	s3 =	simm.s32 @!p0 $0x1082;
	s9 =	sld [smem:$0x3FB6]  }
0x2f: {  	lr =	sadd.s32 s0, s3;
	s0 =	sld [smem:$0x3FAD]  }
0x30: {  	s3 =	sld [smem:$0x3FB0]  }
0x31: {  	[smem:$0x3FB9] =	sst s10  }
0x32: {  	s10 =	sld [smem:$0x3FB7];
	_ =	sdelay $0x3  }
0x33: {  	p0 =	seq.s32 s10, $0x1;
	s10 =	sld [smem:$0x3FB9];
	_ =	sdelay $0x3  }
0x34: {  	[smem:$0x3FB9] =	sst s10  }
0x35: {  	s10 =	sld [smem:$0x3FB8];
	_ =	sdelay $0x3  }
0x36: {  	p1 =	seq.s32 s10, $0x1;
	s10 =	sld [smem:$0x3FB9];
	_ =	sdelay $0x3  }
0x37: {  	[smem:$0x3FB9] =	sst s10  }
0x38: {  	s10 =	sld [smem:$0x3FBA]  }
0x39: {  	_ = 	snop;
	(pc) =	sbr.ind lr, $3  }
0x3a: {  	_ = 	snop  }
0x3b: {  	_ = 	snop  }
0x3c: {  	p2 =	seq.s32 s10, $0x1;
	s10 =	sld [smem:$0x3FB9]  }
0x3d: {  	_ =	shalt  }
0x3e: {  	_ =	shalt  }
0x3f: {  	_ =	shalt  }
0x40: {  	_ =	shalt  }
0x41: {  	_ =	shalt  }
0x42: {  	_ =	shalt  }
0x43: {  	_ =	shalt  }
0x44: {  	_ =	shalt  }
0x45: {  	_ =	shalt  }
0x46: {  	_ =	shalt  }
0x47: {  	_ =	shalt  }
0x48: {  	_ =	shalt  }
0x49: {  	_ =	shalt  }
0x4a: {  	_ =	shalt  }
0x4b: {  	_ =	shalt  }
0x4c: {  	_ =	shalt  }
0x4d: {  	_ =	shalt  }
0x4e: {  	_ =	shalt  }
0x4f: {  	_ =	shalt  }
0x50: {  	_ =	shalt  }
0x51: {  	_ =	shalt  }
0x52: {  	_ =	shalt  }
0x53: {  	_ =	shalt  }
0x54: {  	_ =	shalt  }
0x55: {  	_ =	shalt  }
0x56: {  	_ =	shalt  }
0x57: {  	_ =	shalt  }
0x58: {  	_ =	shalt  }
0x59: {  	_ =	shalt  }
0x5a: {  	_ =	shalt  }
0x5b: {  	_ =	shalt  }
0x5c: {  	_ =	shalt  }
0x5d: {  	_ =	shalt  }
0x5e: {  	_ =	shalt  }
0x5f: {  	_ =	shalt  }
0x60: {  	_ =	shalt  }
0x61: {  	_ =	shalt  }
0x62: {  	_ =	shalt  }
0x63: {  	_ =	shalt  }
0x64: {  	_ =	shalt  }
0x65: {  	_ =	shalt  }
0x66: {  	_ =	shalt  }
0x67: {  	_ =	shalt  }
0x68: {  	_ =	shalt  }
0x69: {  	_ =	shalt  }
0x6a: {  	_ =	shalt  }
0x6b: {  	_ =	shalt  }
0x6c: {  	_ =	shalt  }
0x6d: {  	_ =	shalt  }
0x6e: {  	_ =	shalt  }
0x6f: {  	_ =	shalt  }
0x70: {  	_ =	shalt  }
0x71: {  	_ =	shalt  }
0x72: {  	_ =	shalt  }
0x73: {  	_ =	shalt  }
0x74: {  	_ =	shalt  }
0x75: {  	_ =	shalt  }
0x76: {  	_ =	shalt  }
0x77: {  	_ =	shalt  }
0x78: {  	_ =	shalt  }
0x79: {  	_ =	shalt  }
0x7a: {  	_ =	shalt  }
0x7b: {  	_ =	shalt  }
0x7c: {  	_ =	shalt  }
0x7d: {  	_ =	shalt  }
0x7e: {  	_ =	shalt  }
0x7f: {  	_ =	shalt  }
0x80: {  	_ =	shalt  }
0x81: {  	_ =	shalt  }
0x82: {  	_ =	shalt  }
0x83: {  	_ =	shalt  }
0x84: {  	_ =	shalt  }
0x85: {  	_ =	shalt  }
0x86: {  	_ =	shalt  }
0x87: {  	_ =	shalt  }
.Lfunc_end0:
.L_simem_size_0:
called_computation_lowered:
.L_overlay_start_0:
0x88: {  	s0 =	sld [smem:$0x3FD9]  }
0x89: {  	s1 =	sld [smem:$0x3FFE];
	_ =	sdelay $0x3  }
0x8a: {  	s0 =	sadd.s32 s1, s0  }
0x8b: {  	[smem:$0x3FC5] =	sst s0  }
0x8c: {  	_ = 	snop  }
0x8d: {  	s0 =	sld [smem:$0x3FC9]  }
0x8e: {  	s17 =	sld [smem:$0x3FC8]  }
0x8f: {  	s2 =	sld [smem:$0x3FC7]  }
0x90: {  	s3 =	sld [smem:$0x3FD0];
	(tm) =	ssettm $0x1  }
0x91: {  	s4 =	sld [smem:$0x3FFB];
	_ =	sdelay $0x3  }
0x92: {  	_ =	strace s4  }
0x93: {  	s4 =	sld [smem:$0x3FFC];
	_ =	sdelay $0x3  }
0x94: {  	_ =	strace s4  }
0x95: {  	s4 =	sld [smem:$0x3FFD];
	_ =	sdelay $0x3  }
0x96: {  	_ =	strace s4  }
0x97: {  	_ =	strace $0x8FFFFFFF  }
0x98: {  	s18 =	sld [smem:$0x3FDB];
	_ =	sdelay $0x1  }
0x99: {  	s5 =	simm.s32 $_scs_section_size  }
0x9a: {  	s6 =	simm.s32 $_size__tile_overlayer_lowered;
	s7 =	simm.s32 $_tile_overlayer_lowered  }
0x9b: {  	s21 =	simm.s32 $0x1BFF;
	s20 =	sshll.u32 s7, $0x1;
	s4 =	sadd.s32 s5, s18  }
0x9c: {  	s8 =	simm.s32 $0x0;
	s19 =	sshll.u32 s6, $0x1;
	s6 =	sadd.s32 s20, s4  }
0x9d: {  	[timem:s8], [sflag:s21] =	dma.local [hbm:s6], s19  }
0x9e: {  	_ =	swait.ge [sflag:s21], s19  }
0x9f: {  	s5 =	ssub.s32 $0x0, s19;
	[sflag:s21] =	ssyncset.done $0x0  }
0xa0: {  	[sflag:s21] =	ssyncadd.s32 s5;
	_ =	sdelay $0x1  }
0xa1: {  	s22 =	simm.s32 $0x1B8B  }
0xa2: {  	_ =	swait.ge [sflag:s22], $0x1  }
0xa3: {  	[sflag:s22] =	ssyncset.done $0x0  }
0xa4: {  	s23 =	simm.s32 $0x1B8E;
	[sflag:s22] =	ssyncadd.s32 $0xFFFFFFFF  }
0xa5: {  	s24 =	simm.s32 $execute0_lowered;
	[smem:$0x3FD2] =	sst s23  }
0xa6: {  	s5 =	sshll.u32 s24, $0x1;
	_ =	strace $0x80000046;
	[dreg:$0x1] =	wrdreg $0xFFFFFFFF  }
0xa7: {  	s25 =	simm.s32 $_size_execute0_lowered;
	s4 =	sadd.s32 s4, s5;
	[dreg:$0x0] =	wrdreg $0x0  }
0xa8: {  	s5 =	sshll.u32 s25, $0x1;
	[dreg:$0x2] =	wrdreg s4  }
0xa9: {  	[dreg:$0x3] =	wrdreg s5  }
0xaa: {  	[dreg:$0x4] =	wrdreg $0xC0  }
0xab: {  	_ =	task [dreg:s8], $0x5FFFF  }
0xac: {  	[dreg:$0x1] =	wrdreg $0xFFFFFFFF  }
0xad: {  	[dreg:$0x0] =	wrdreg $0x60  }
0xae: {  	[dreg:$0x2] =	wrdreg s0  }
0xaf: {  	[dreg:$0x3] =	wrdreg s17  }
0xb0: {  	[dreg:$0x4] =	wrdreg s2  }
0xb1: {  	[dreg:$0x5] =	wrdreg s3  }
0xb2: {  	[dreg:$0x6] =	wrdreg $0x9  }
0xb3: {  	_ =	task.clear_ibuf [dreg:s8], $0x7FFFF;
	_ =	strace $0x90000046  }
0xb4: {  	s26 =	simm.s32 $0x9;
	_ =	strace $0x80000048  }
0xb5: {  	_ =	swait.ge [sflag:s26], $0x1  }
0xb6: {  	[sflag:s26] =	ssyncadd.s32 $0xFFFFFFFF  }
0xb7: {  	_ =	strace $0x90000048  }
0xb8: {  	_ =	sfence  }
0xb9: {  	s28 =	sld [smem:$0x0];
	_ =	sdelay $0x1  }
0xba: {  	s29 =	srdreg.scid  }
0xbb: {  	s30 =	sshll.u32 s29, $0xD;
	s31 =	sshrl.u32 s29, $0x2  }
0xbc: {  	s1 =	sand.u32 $0x1, s29;
	s2 =	sand.u32 $0x4000, s30;
	s0 =	sadd.s32 s31, s28  }
0xbd: {  	s1 =	sor.u32 s2, s1;
	s0 =	sshll.u32 s0, $0x11  }
0xbe: {  	s0 =	sor.u32 s0, s1  }
0xbf: {  	s0 =	sadd.s32 $0x8F2B, s0  }
0xc0: {  	[sflag:s0] =	ssyncadd.remote.s32 $0x1  }
0xc1: {  	_ =	sfence.sel $0xFFFF  }
0xc2: {  	[dreg:$0x0] =	wrdreg $0xFFFFFFFF;
	(pc) =	sbr.abs _section_cstart, $3  }
0xc3: {  	[dreg:$0x1] =	wrdreg $0xFFFFFFFF  }
0xc4: {  	_ =	task.clear_ibuf [dreg:s8], $0x2FFFF;
	_ =	strace $0x9FFFFFFF  }
0xc5: {  	(tm) =	ssettm $0x7FFFFFFF  }
tec
execute0_lowered:
.L_overlay_start_1:
0x0: {  	(tag) =	ssettag $0x1  }
0x1: {  	s2 =	stileid.u32  }
0x2: {  	p0 =	sne.s32 s2, $0x0  }
.Ltmp0:
0x3: {  	s5 =	rddreg [dreg:$0x0];
	(pc) =	sbr.rel @p0 .LBB2_2-.Ltmp0, $4  }
0x4: {  	s4 =	rddreg [dreg:$0x1]  }
0x5: {  	s3 =	rddreg [dreg:$0x2]  }
0x6: {  	s1 =	rddreg [dreg:$0x3]  }
0x7: {  	s0 =	rddreg [dreg:$0x4];
	_ =	strace $0x80000047  }
0x8: {  	s2 =	simm.s32 $0x0  }
0x9: {  	[tilespmem:s2], [sflag:$0x1] =	stream.linear.gather [hbm4b:s5+s2], $0xA, $0x38;
	[tilespmem:$0x200] =	vst v63  }
0xa: {  	s20 =	simm.s32 $0x80  }
0xb: {  	[tilespmem:s20], [sflag:$0x1] =	stream.linear.gather [hbm4b:s4+s2], $0x16, $0x38;
	[tilespmem:$0x200] =	vst v63  }
0xc: {  	s21 =	simm.s32 $0x100;
	s22 =	simm.s32 $0x1  }
0xd: {  	[tilespmem:s21], [sflag:$0x1] =	stream.linear.gather [hbm4b:s3+s2], $0x1, $0x38;
	[tilespmem:$0x200] =	vst v63  }
0xe: {  	_ =	swait.ge [sflag:s22], $0xA  }
0xf: {  	[sflag:s22] =	ssyncset.done $0x0  }
0x10: {  	[sflag:s22] =	ssyncadd.s32 $0xFFFFFFF6  }
0x11: {  	_ =	swait.ge [sflag:s22], $0x16  }
0x12: {  	[sflag:s22] =	ssyncset.done $0x0  }
0x13: {  	[sflag:s22] =	ssyncadd.s32 $0xFFFFFFEA  }
0x14: {  	_ =	swait.ge [sflag:s22], $0x1  }
0x15: {  	[sflag:s22] =	ssyncset.done $0x0  }
0x16: {  	[sflag:s22] =	ssyncadd.s32 $0xFFFFFFFF  }
0x17: {  	v0 =	vld [tilespmem:$0x100]  }
0x18: {  	v1 =	vld [tilespmem:$0x0]  }
0x19: {  	v2 =	vld [tilespmem:$0x80];
	_ =	sdelay $0x2  }
0x1a: {  	(v2sf) =	vpush v0, $0x0  }
0x1b: {  	(v2sf) =	vpush v1, $0x9  }
0x1c: {  	(v2sf) =	vpush v2, $0x2  }
0x1d: {  	(v2sf) =	vpush v1, $0x6  }
0x1e: {  	(v2sf) =	vpush v1, $0x8  }
0x1f: {  	(v2sf) =	vpush v2, $0x1  }
0x20: {  	(v2sf) =	vpush v1, $0x3  }
0x21: {  	(v2sf) =	vpush v1, $0x5  }
0x22: {  	(v2sf) =	vpush v2, $0x0  }
0x23: {  	(v2sf) =	vpush v2, $0x3  }
0x24: {  	(v2sf) =	vpush v2, $0x7;
	_ =	sdelay $0x1  }
0x25: {  	(v2sf) =	vpush v2, $0x4  }
0x26: {  	(v2sf) =	vpush v2, $0x5;
	_ =	sdelay $0x1  }
0x27: {  	s23 =	spop (v2sf)  }
0x28: {  	s24 =	spop (v2sf)  }
0x29: {  	s25 =	spop (v2sf)  }
0x2a: {  	s6 =	spop (v2sf)  }
0x2b: {  	s7 =	spop (v2sf)  }
0x2c: {  	v59 =	vbroadcast v2, $0x8;
	s8 =	spop (v2sf)  }
0x2d: {  	vm0 =	vcmask $0xF0C;
	s9 =	spop (v2sf)  }
0x2e: {  	v0 =	vnsel vm0, $0x3F800000, v59;
	s10 =	spop (v2sf)  }
0x2f: {  	(erf) = vrcp.f32 v0;
	s11 =	spop (v2sf)  }
0x30: {  	s12 =	spop (v2sf)  }
0x31: {  	s13 =	spop (v2sf)  }
0x32: {  	p1 =	sle.f32 s23, s13  }
0x33: {  	s13 =	spop (v2sf)  }
0x34: {  	s6 =	sadd.f32 s7, s6;
	s26 =	spop (v2sf);
	s13 =	simm.s32 @!p1 $0x0  }
0x35: {  	s3 =	smul.f32 s23, s26;
	s12 =	sadd.f32 s13, s12  }
0x36: {  	v60 =	vlaneseq.u32;
	s4 =	smul.f32 s25, s24;
	s28 =	sadd.f32 s10, s9  }
0x37: {  	vm1 =	veq.s32 v60, $0x0;
	s6 =	smul.f32 s8, s6;
	v62 =	vmov s3;
	v61 =	vmov s12  }
0x38: {  	vm14 =	veq.s32 v60, $0x1;
	v3 =	vpop (erf);
	s29 =	smul.f32 s11, s28;
	v2 =	vnsel vm0, $0x0, v62;
	v1 =	vsel vm1, s4, v61  }
0x39: {  	vm15 =	veq.s32 v60, $0x2;
	v63 =	vmul.f32 v2, v3;
	v1 =	vsel vm14, s6, v1  }
0x3a: {  	v1 =	vsel vm15, s29, v1  }
0x3b: {  	v0 =	vadd.f32 v1, v63;
	_ =	sdelay $0x1  }
0x3c: {  	s30 =	simm.s32 $0x180;
	s31 =	simm.s32 $0x2;
	[tilespmem:$0x180] =	vst v0  }
0x3d: {  	[hbm4b:s1+s2] =	stream.linear.scatter [tilespmem:s30], [sflag:$0x2], $0x4, $0x38;
	[tilespmem:$0x200] =	vst v63  }
0x3e: {  	_ =	swait.ge [sflag:s31], $0x4  }
0x3f: {  	[sflag:s31] =	ssyncset.done $0x0  }
0x40: {  	[sflag:s31] =	ssyncadd.s32 $0xFFFFFFFC  }
.LBB2_2:
0x41: {  	_ =	sfence.sel $0x180000  }
0x42: {  	[bflag:$0x0] =	sbarrier.arrive $0xFFFF  }
0x43: {  	_ =	strace $0x90000047  }
0x44: {  	s0 =	sadd.s32 @!p0 $0x100000, s0;
	[bflag:$0x2] =	sbarrier.arrive $0xFFFF  }
0x45: {  	[sflag:s0] =	ssyncadd.tile.s32 @!p0 $0x1;
	_ =	shalt  }
.Lfunc_end2:
_tile_overlayer_lowered:
.L_overlay_start_2:
0x46: {  	(tag) =	ssettag $0x2  }
0x47: {  	s0 =	rddreg [dreg:$0x0];
	s2 =	stileid.u32  }
0x48: {  	s1 =	rddreg [dreg:$0x1];
	p0 =	sne.s32 s2, $0x0  }
0x49: {  	s3 =	rddreg [dreg:$0x2];
	[bflag:$0x3] =	sbarrier.arrive $0xFFFF;
	s2 =	simm.s32 @!p0 $0x1C02  }
0x4a: {  	[timem:s3], [sflag:s2] =	dma.local @!p0 [hbm:s0], s1  }
0x4b: {  	s0 =	simm.s32 @!p0 $0x2  }
0x4c: {  	_ =	swait.ge @!p0 [sflag:s0], s1  }
0x4d: {  	s1 =	ssub.s32 @!p0 $0x0, s1;
	[sflag:s0] =	ssyncset.done @!p0 $0x0  }
0x4e: {  	[sflag:s0] =	ssyncadd.s32 @!p0 s1  }
0x4f: {  	[bflag:$0x3] =	sbarrier.arrive $0xFFFF  }
0x50: {  	_ =	shalt  }

</sc_bundles>
